<compile_context>
chip_gen: v7x
topology: tpu7x:2x2x1
jax: 0.10.2.dev20260603
libtpu: 0.0.44.dev20260713+nightly
codegen_flags: <defaults>
</compile_context>

<pallas_src>
import functools

import jax
import jax.numpy as jnp
from jax import lax
from jax.experimental import pallas as pl
from jax.experimental.pallas import tpu as pltpu
from jax.experimental.pallas import tpu_sc as plsc

_NC = 2
_NS = 16
_NW = _NC * _NS
_CH = 128


@jax.jit
def _embed(xf, table):
    n_rows, ch = xf.shape
    v, d = table.shape
    n_chunks = n_rows // _NW

    mesh = plsc.VectorSubcoreMesh(core_axis_name="c", subcore_axis_name="s")
    nb = 5

    @functools.partial(
        pl.kernel,
        out_type=jax.ShapeDtypeStruct((n_rows * ch, d), jnp.float32),
        mesh=mesh,
        scratch_types=[
            pltpu.VMEM((n_chunks, ch), jnp.int32),
            pltpu.VMEM((nb, ch, d), jnp.float32),
            [pltpu.SemaphoreType.DMA] * nb,
            [pltpu.SemaphoreType.DMA] * nb,
        ],
    )
    def emb(x_hbm, table_hbm, out_hbm, idx_v, rows_v, sem_g, sem_s):
        wid = lax.axis_index("s") * _NC + lax.axis_index("c")
        row0 = wid * n_chunks
        pltpu.sync_copy(x_hbm.at[pl.ds(row0, n_chunks)], idx_v)

        def gather_start(j, b):
            pltpu.async_copy(table_hbm.at[idx_v.at[j]], rows_v.at[b], sem_g[b])

        def gather_wait(j, b):
            pltpu.make_async_copy(
                table_hbm.at[idx_v.at[j]], rows_v.at[b], sem_g[b]
            ).wait()

        def out_start(j, b):
            pltpu.async_copy(
                rows_v.at[b], out_hbm.at[pl.ds((row0 + j) * ch, ch)], sem_s[b]
            )

        def out_wait(j, b):
            pltpu.make_async_copy(
                rows_v.at[b], out_hbm.at[pl.ds((row0 + j) * ch, ch)], sem_s[b]
            ).wait()

        gather_start(0, 0)
        gather_start(1, 1)
        gather_start(2, 2)

        @pl.loop(0, n_chunks // nb)
        def _(g):
            for b in range(nb):
                j = g * nb + b
                gather_wait(j, b)
                out_start(j, b)

                @pl.when(j >= 2)
                def _():
                    out_wait(j - 2, (b + 3) % nb)

                @pl.when(j + 3 < n_chunks)
                def _():
                    gather_start(j + 3, (b + 3) % nb)

        out_wait(n_chunks - 2, (n_chunks - 2) % nb)
        out_wait(n_chunks - 1, (n_chunks - 1) % nb)

    return emb(xf, table)


def kernel(x, table):
    b, l = x.shape
    _, d = table.shape
    xf = x.reshape(b * l // _CH, _CH).astype(jnp.int32)
    out = _embed(xf, table)
    return out.reshape(b, l, d)

# --- scband reference (transcript-rebuilt; emitter-appended) ---
"""Pipeline reference for scband-word-embedding-1924145348656 (READ-ONLY COPY).

The authoritative reference and input builder live on the scoring server;
editing this copy changes nothing except your own understanding.
"""

import jax, jax.numpy as jnp
import numpy as np

VOCAB = 1000000
DIM = 128
B = 4096
L = 200


def setup_inputs(seed: int = 0) -> dict:
    key = jax.random.key(seed)
    k1, k2 = jax.random.split(key)
    x = jax.random.randint(k1, (B, L), 0, VOCAB)
    # Pretrained word-vector table (e.g. GloVe-style), padding_idx=0 row zeroed.
    table = jax.random.normal(k2, (VOCAB, DIM), dtype=jnp.float32) * 0.02
    table = table.at[0].set(0.0)
    return {"x": x, "table": table}


def reference(x, table):
    # WordEmbedding 'vectors' factory: self.emb(x) == table[x]
    return jnp.take(table, x, axis=0)

if __name__ == "__main__":
    import jax
    _d = setup_inputs()
    print(jax.jit(kernel)(*tuple(_d.values())))

</pallas_src>

<mosaic_0001>
#map = affine_map<(d0, d1) -> (0, 0)>
module attributes {stable_mosaic.version = 14 : i64} {
  func.func @emb(%arg0: i32, %arg1: i32, %arg2: memref<6400x128xi32, #tpu.memory_space<hbm>>, %arg3: memref<1000000x128xf32, #tpu.memory_space<hbm>>, %arg4: memref<819200x128xf32, #tpu.memory_space<hbm>>, %arg5: memref<200x128xi32, #tpu.memory_space<vmem>>, %arg6: memref<5x128x128xf32, #tpu.memory_space<vmem>>, %arg7: memref<!tpu.dma_semaphore, #tpu.memory_space<semaphore_mem>>, %arg8: memref<!tpu.dma_semaphore, #tpu.memory_space<semaphore_mem>>, %arg9: memref<!tpu.dma_semaphore, #tpu.memory_space<semaphore_mem>>, %arg10: memref<!tpu.dma_semaphore, #tpu.memory_space<semaphore_mem>>, %arg11: memref<!tpu.dma_semaphore, #tpu.memory_space<semaphore_mem>>, %arg12: memref<!tpu.dma_semaphore, #tpu.memory_space<semaphore_mem>>, %arg13: memref<!tpu.dma_semaphore, #tpu.memory_space<semaphore_mem>>, %arg14: memref<!tpu.dma_semaphore, #tpu.memory_space<semaphore_mem>>, %arg15: memref<!tpu.dma_semaphore, #tpu.memory_space<semaphore_mem>>, %arg16: memref<!tpu.dma_semaphore, #tpu.memory_space<semaphore_mem>>) attributes {dimension_semantics = [#tpu.dimension_semantics<core_parallel>, #tpu.dimension_semantics<subcore_parallel>], iteration_bounds = array<i64: 2, 16>, scalar_prefetch = 0 : i64, scratch_operands = 12 : i64, tpu.core_type = #tpu.core_type<sc_vector_subcore>, window_params = [{transform_indices = #map}, {transform_indices = #map}, {transform_indices = #map}]} {
    %mul3A = arith.constant 2 : i32
    %mul3A_0 = arith.muli %arg1, %mul3A : i32
    %add3A = arith.addi %mul3A_0, %arg0 : i32
    %mul3A_1 = arith.constant 200 : i32
    %mul3A_2 = arith.muli %add3A, %mul3A_1 : i32
    "tpu.region"() ({
      %run_scoped3A = tpu.sem_alloc : memref<!tpu.dma_semaphore, #tpu.memory_space<semaphore_mem>>
      %dma_start3A_75 = arith.constant 0 : i32
      %dma_start3A_76 = tpu.memref_slice %arg2[%mul3A_2, %dma_start3A_75] : memref<6400x128xi32, #tpu.memory_space<hbm>> -> memref<200x128xi32, #tpu.memory_space<hbm>>
      %dma_start3A_77 = arith.constant 0 : i32
      %dma_start3A_78 = tpu.memref_slice %arg2[%mul3A_2, %dma_start3A_77] : memref<6400x128xi32, #tpu.memory_space<hbm>> -> memref<200x128xi32, #tpu.memory_space<hbm>>
      tpu.enqueue_dma source(%dma_start3A_78 : memref<200x128xi32, #tpu.memory_space<hbm>>) target(%arg5 : memref<200x128xi32, #tpu.memory_space<vmem>>) target_semaphore(%run_scoped3A : memref<!tpu.dma_semaphore, #tpu.memory_space<semaphore_mem>>)
      %dma_wait3A_79 = arith.constant 0 : i32
      %dma_wait3A_80 = tpu.memref_slice %arg2[%mul3A_2, %dma_wait3A_79] : memref<6400x128xi32, #tpu.memory_space<hbm>> -> memref<200x128xi32, #tpu.memory_space<hbm>>
      %dma_wait3A_81 = arith.constant 0 : i32
      %dma_wait3A_82 = tpu.memref_slice %arg2[%mul3A_2, %dma_wait3A_81] : memref<6400x128xi32, #tpu.memory_space<hbm>> -> memref<200x128xi32, #tpu.memory_space<hbm>>
      tpu.wait_dma2 semaphore(%run_scoped3A : memref<!tpu.dma_semaphore, #tpu.memory_space<semaphore_mem>>) src(%dma_wait3A_82 : memref<200x128xi32, #tpu.memory_space<hbm>>) dst(%arg5 : memref<200x128xi32, #tpu.memory_space<vmem>>)
      tpu.yield
    }) : () -> ()
    %dma_start3A = arith.constant 0 : i32
    %dma_start3A_3 = arith.constant 0 : i32
    %dma_start3A_4 = arith.constant 0 : i32
    %dma_start3A_5 = arith.constant 0 : i32
    %dma_start3A_6 = tpu.memref_slice %arg6[%dma_start3A_3, %dma_start3A_4, %dma_start3A_5] : memref<5x128x128xf32, #tpu.memory_space<vmem>> -> memref<1x128x128xf32, #tpu.memory_space<vmem>>
    %dma_start3A_7 = tpu.memref_squeeze %dma_start3A_6 : memref<1x128x128xf32, #tpu.memory_space<vmem>> -> memref<128x128xf32, #tpu.memory_space<vmem>>
    %dma_start3A_8 = arith.constant 0 : i32
    %dma_start3A_9 = tpu.memref_slice %arg5[%dma_start3A, %dma_start3A_8] : memref<200x128xi32, #tpu.memory_space<vmem>> -> memref<1x128xi32, #tpu.memory_space<vmem>>
    %dma_start3A_10 = tpu.memref_squeeze %dma_start3A_9 : memref<1x128xi32, #tpu.memory_space<vmem>> -> memref<128xi32, #tpu.memory_space<vmem>>
    %dma_start3A_11 = arith.constant 0 : i32
    %dma_start3A_12 = arith.constant 0 : i32
    %dma_start3A_13 = tpu.memref_slice %arg3[%dma_start3A_11, %dma_start3A_12] : memref<1000000x128xf32, #tpu.memory_space<hbm>> -> memref<1000000x128xf32, #tpu.memory_space<hbm>>
    tpu.enqueue_indirect_dma source(%dma_start3A_13 : memref<1000000x128xf32, #tpu.memory_space<hbm>>) target(%dma_start3A_7 : memref<128x128xf32, #tpu.memory_space<vmem>>) offsets(%dma_start3A_10 : memref<128xi32, #tpu.memory_space<vmem>>) semaphore(%arg7 : memref<!tpu.dma_semaphore, #tpu.memory_space<semaphore_mem>>)
    %dma_start3A_14 = arith.constant 1 : i32
    %dma_start3A_15 = arith.constant 1 : i32
    %dma_start3A_16 = arith.constant 0 : i32
    %dma_start3A_17 = arith.constant 0 : i32
    %dma_start3A_18 = tpu.memref_slice %arg6[%dma_start3A_15, %dma_start3A_16, %dma_start3A_17] : memref<5x128x128xf32, #tpu.memory_space<vmem>> -> memref<1x128x128xf32, #tpu.memory_space<vmem>>
    %dma_start3A_19 = tpu.memref_squeeze %dma_start3A_18 : memref<1x128x128xf32, #tpu.memory_space<vmem>> -> memref<128x128xf32, #tpu.memory_space<vmem>>
    %dma_start3A_20 = arith.constant 0 : i32
    %dma_start3A_21 = tpu.memref_slice %arg5[%dma_start3A_14, %dma_start3A_20] : memref<200x128xi32, #tpu.memory_space<vmem>> -> memref<1x128xi32, #tpu.memory_space<vmem>>
    %dma_start3A_22 = tpu.memref_squeeze %dma_start3A_21 : memref<1x128xi32, #tpu.memory_space<vmem>> -> memref<128xi32, #tpu.memory_space<vmem>>
    %dma_start3A_23 = arith.constant 0 : i32
    %dma_start3A_24 = arith.constant 0 : i32
    %dma_start3A_25 = tpu.memref_slice %arg3[%dma_start3A_23, %dma_start3A_24] : memref<1000000x128xf32, #tpu.memory_space<hbm>> -> memref<1000000x128xf32, #tpu.memory_space<hbm>>
    tpu.enqueue_indirect_dma source(%dma_start3A_25 : memref<1000000x128xf32, #tpu.memory_space<hbm>>) target(%dma_start3A_19 : memref<128x128xf32, #tpu.memory_space<vmem>>) offsets(%dma_start3A_22 : memref<128xi32, #tpu.memory_space<vmem>>) semaphore(%arg8 : memref<!tpu.dma_semaphore, #tpu.memory_space<semaphore_mem>>)
    %dma_start3A_26 = arith.constant 2 : i32
    %dma_start3A_27 = arith.constant 2 : i32
    %dma_start3A_28 = arith.constant 0 : i32
    %dma_start3A_29 = arith.constant 0 : i32
    %dma_start3A_30 = tpu.memref_slice %arg6[%dma_start3A_27, %dma_start3A_28, %dma_start3A_29] : memref<5x128x128xf32, #tpu.memory_space<vmem>> -> memref<1x128x128xf32, #tpu.memory_space<vmem>>
    %dma_start3A_31 = tpu.memref_squeeze %dma_start3A_30 : memref<1x128x128xf32, #tpu.memory_space<vmem>> -> memref<128x128xf32, #tpu.memory_space<vmem>>
    %dma_start3A_32 = arith.constant 0 : i32
    %dma_start3A_33 = tpu.memref_slice %arg5[%dma_start3A_26, %dma_start3A_32] : memref<200x128xi32, #tpu.memory_space<vmem>> -> memref<1x128xi32, #tpu.memory_space<vmem>>
    %dma_start3A_34 = tpu.memref_squeeze %dma_start3A_33 : memref<1x128xi32, #tpu.memory_space<vmem>> -> memref<128xi32, #tpu.memory_space<vmem>>
    %dma_start3A_35 = arith.constant 0 : i32
    %dma_start3A_36 = arith.constant 0 : i32
    %dma_start3A_37 = tpu.memref_slice %arg3[%dma_start3A_35, %dma_start3A_36] : memref<1000000x128xf32, #tpu.memory_space<hbm>> -> memref<1000000x128xf32, #tpu.memory_space<hbm>>
    tpu.enqueue_indirect_dma source(%dma_start3A_37 : memref<1000000x128xf32, #tpu.memory_space<hbm>>) target(%dma_start3A_31 : memref<128x128xf32, #tpu.memory_space<vmem>>) offsets(%dma_start3A_34 : memref<128xi32, #tpu.memory_space<vmem>>) semaphore(%arg9 : memref<!tpu.dma_semaphore, #tpu.memory_space<semaphore_mem>>)
    %scan3A = arith.constant 0 : i32
    %scan3A_38 = arith.constant 40 : i32
    %scan3A_39 = arith.addi %scan3A, %scan3A_38 : i32
    %scan3A_40 = arith.constant 1 : i32
    scf.for %scan3A_75 = %scan3A to %scan3A_39 step %scan3A_40  : i32 {
      %mul3A_76 = arith.constant 1 : i32
      %mul3A_77 = arith.muli %scan3A_75, %mul3A_76 : i32
      %add3A_78 = arith.constant 0 : i32
      %add3A_79 = arith.addi %add3A_78, %mul3A_77 : i32
      %mul3A_80 = arith.constant 5 : i32
      %mul3A_81 = arith.muli %add3A_79, %mul3A_80 : i32
      %add3A_82 = arith.constant 0 : i32
      %add3A_83 = arith.addi %mul3A_81, %add3A_82 : i32
      %dma_wait3A_84 = arith.constant 0 : i32
      %dma_wait3A_85 = arith.constant 0 : i32
      %dma_wait3A_86 = arith.constant 0 : i32
      %dma_wait3A_87 = tpu.memref_slice %arg6[%dma_wait3A_84, %dma_wait3A_85, %dma_wait3A_86] : memref<5x128x128xf32, #tpu.memory_space<vmem>> -> memref<1x128x128xf32, #tpu.memory_space<vmem>>
      %dma_wait3A_88 = tpu.memref_squeeze %dma_wait3A_87 : memref<1x128x128xf32, #tpu.memory_space<vmem>> -> memref<128x128xf32, #tpu.memory_space<vmem>>
      %dma_wait3A_89 = arith.constant 0 : i32
      %dma_wait3A_90 = tpu.memref_slice %arg5[%add3A_83, %dma_wait3A_89] : memref<200x128xi32, #tpu.memory_space<vmem>> -> memref<1x128xi32, #tpu.memory_space<vmem>>
      %dma_wait3A_91 = tpu.memref_squeeze %dma_wait3A_90 : memref<1x128xi32, #tpu.memory_space<vmem>> -> memref<128xi32, #tpu.memory_space<vmem>>
      %dma_wait3A_92 = arith.constant 0 : i32
      %dma_wait3A_93 = arith.constant 0 : i32
      %dma_wait3A_94 = tpu.memref_slice %arg3[%dma_wait3A_92, %dma_wait3A_93] : memref<1000000x128xf32, #tpu.memory_space<hbm>> -> memref<1000000x128xf32, #tpu.memory_space<hbm>>
      tpu.wait_indirect_dma semaphore(%arg7 : memref<!tpu.dma_semaphore, #tpu.memory_space<semaphore_mem>>) src(%dma_wait3A_94 : memref<1000000x128xf32, #tpu.memory_space<hbm>>) dst(%dma_wait3A_88 : memref<128x128xf32, #tpu.memory_space<vmem>>)
      %add3A_95 = arith.addi %mul3A_2, %add3A_83 : i32
      %mul3A_96 = arith.constant 128 : i32
      %mul3A_97 = arith.muli %add3A_95, %mul3A_96 : i32
      %dma_start3A_98 = arith.constant 0 : i32
      %dma_start3A_99 = arith.constant 0 : i32
      %dma_start3A_100 = arith.constant 0 : i32
      %dma_start3A_101 = tpu.memref_slice %arg6[%dma_start3A_98, %dma_start3A_99, %dma_start3A_100] : memref<5x128x128xf32, #tpu.memory_space<vmem>> -> memref<1x128x128xf32, #tpu.memory_space<vmem>>
      %dma_start3A_102 = tpu.memref_squeeze %dma_start3A_101 : memref<1x128x128xf32, #tpu.memory_space<vmem>> -> memref<128x128xf32, #tpu.memory_space<vmem>>
      %dma_start3A_103 = arith.constant 0 : i32
      %dma_start3A_104 = tpu.memref_slice %arg4[%mul3A_97, %dma_start3A_103] : memref<819200x128xf32, #tpu.memory_space<hbm>> -> memref<128x128xf32, #tpu.memory_space<hbm>>
      %dma_start3A_105 = arith.constant 0 : i32
      %dma_start3A_106 = tpu.memref_slice %arg4[%mul3A_97, %dma_start3A_105] : memref<819200x128xf32, #tpu.memory_space<hbm>> -> memref<128x128xf32, #tpu.memory_space<hbm>>
      %dma_start3A_107 = arith.constant 0 : i32
      %dma_start3A_108 = arith.constant 0 : i32
      %dma_start3A_109 = tpu.memref_slice %arg6[%dma_start3A_98, %dma_start3A_107, %dma_start3A_108] : memref<5x128x128xf32, #tpu.memory_space<vmem>> -> memref<1x128x128xf32, #tpu.memory_space<vmem>>
      %dma_start3A_110 = tpu.memref_squeeze %dma_start3A_109 : memref<1x128x128xf32, #tpu.memory_space<vmem>> -> memref<128x128xf32, #tpu.memory_space<vmem>>
      tpu.enqueue_dma source(%dma_start3A_110 : memref<128x128xf32, #tpu.memory_space<vmem>>) target(%dma_start3A_106 : memref<128x128xf32, #tpu.memory_space<hbm>>) target_semaphore(%arg12 : memref<!tpu.dma_semaphore, #tpu.memory_space<semaphore_mem>>)
      %ge3A = arith.constant 2 : i32
      %ge3A_111 = arith.cmpi sge, %add3A_83, %ge3A : i32
      %convert_element_type3A = arith.extui %ge3A_111 : i1 to i32
      %cond3A = arith.constant 0 : i32
      %cond3A_112 = arith.cmpi ne, %convert_element_type3A, %cond3A : i32
      scf.if %cond3A_112 {
        %sub3A = arith.constant 2 : i32
        %sub3A_291 = arith.subi %add3A_83, %sub3A : i32
        %add3A_292 = arith.addi %mul3A_2, %sub3A_291 : i32
        %mul3A_293 = arith.constant 128 : i32
        %mul3A_294 = arith.muli %add3A_292, %mul3A_293 : i32
        %dma_wait3A_295 = arith.constant 3 : i32
        %dma_wait3A_296 = arith.constant 0 : i32
        %dma_wait3A_297 = arith.constant 0 : i32
        %dma_wait3A_298 = tpu.memref_slice %arg6[%dma_wait3A_295, %dma_wait3A_296, %dma_wait3A_297] : memref<5x128x128xf32, #tpu.memory_space<vmem>> -> memref<1x128x128xf32, #tpu.memory_space<vmem>>
        %dma_wait3A_299 = tpu.memref_squeeze %dma_wait3A_298 : memref<1x128x128xf32, #tpu.memory_space<vmem>> -> memref<128x128xf32, #tpu.memory_space<vmem>>
        %dma_wait3A_300 = arith.constant 0 : i32
        %dma_wait3A_301 = tpu.memref_slice %arg4[%mul3A_294, %dma_wait3A_300] : memref<819200x128xf32, #tpu.memory_space<hbm>> -> memref<128x128xf32, #tpu.memory_space<hbm>>
        %dma_wait3A_302 = arith.constant 0 : i32
        %dma_wait3A_303 = tpu.memref_slice %arg4[%mul3A_294, %dma_wait3A_302] : memref<819200x128xf32, #tpu.memory_space<hbm>> -> memref<128x128xf32, #tpu.memory_space<hbm>>
        %dma_wait3A_304 = arith.constant 0 : i32
        %dma_wait3A_305 = arith.constant 0 : i32
        %dma_wait3A_306 = tpu.memref_slice %arg6[%dma_wait3A_295, %dma_wait3A_304, %dma_wait3A_305] : memref<5x128x128xf32, #tpu.memory_space<vmem>> -> memref<1x128x128xf32, #tpu.memory_space<vmem>>
        %dma_wait3A_307 = tpu.memref_squeeze %dma_wait3A_306 : memref<1x128x128xf32, #tpu.memory_space<vmem>> -> memref<128x128xf32, #tpu.memory_space<vmem>>
        tpu.wait_dma2 semaphore(%arg15 : memref<!tpu.dma_semaphore, #tpu.memory_space<semaphore_mem>>) src(%dma_wait3A_307 : memref<128x128xf32, #tpu.memory_space<vmem>>) dst(%dma_wait3A_303 : memref<128x128xf32, #tpu.memory_space<hbm>>)
      } else {
      }
      %add3A_113 = arith.constant 3 : i32
      %add3A_114 = arith.addi %add3A_83, %add3A_113 : i32
      %lt3A = arith.constant 200 : i32
      %lt3A_115 = arith.cmpi slt, %add3A_114, %lt3A : i32
      %convert_element_type3A_116 = arith.extui %lt3A_115 : i1 to i32
      %cond3A_117 = arith.constant 0 : i32
      %cond3A_118 = arith.cmpi ne, %convert_element_type3A_116, %cond3A_117 : i32
      scf.if %cond3A_118 {
        %add3A_291 = arith.constant 3 : i32
        %add3A_292 = arith.addi %add3A_83, %add3A_291 : i32
        %dma_start3A_293 = arith.constant 3 : i32
        %dma_start3A_294 = arith.constant 0 : i32
        %dma_start3A_295 = arith.constant 0 : i32
        %dma_start3A_296 = tpu.memref_slice %arg6[%dma_start3A_293, %dma_start3A_294, %dma_start3A_295] : memref<5x128x128xf32, #tpu.memory_space<vmem>> -> memref<1x128x128xf32, #tpu.memory_space<vmem>>
        %dma_start3A_297 = tpu.memref_squeeze %dma_start3A_296 : memref<1x128x128xf32, #tpu.memory_space<vmem>> -> memref<128x128xf32, #tpu.memory_space<vmem>>
        %dma_start3A_298 = arith.constant 0 : i32
        %dma_start3A_299 = tpu.memref_slice %arg5[%add3A_292, %dma_start3A_298] : memref<200x128xi32, #tpu.memory_space<vmem>> -> memref<1x128xi32, #tpu.memory_space<vmem>>
        %dma_start3A_300 = tpu.memref_squeeze %dma_start3A_299 : memref<1x128xi32, #tpu.memory_space<vmem>> -> memref<128xi32, #tpu.memory_space<vmem>>
        %dma_start3A_301 = arith.constant 0 : i32
        %dma_start3A_302 = arith.constant 0 : i32
        %dma_start3A_303 = tpu.memref_slice %arg3[%dma_start3A_301, %dma_start3A_302] : memref<1000000x128xf32, #tpu.memory_space<hbm>> -> memref<1000000x128xf32, #tpu.memory_space<hbm>>
        tpu.enqueue_indirect_dma source(%dma_start3A_303 : memref<1000000x128xf32, #tpu.memory_space<hbm>>) target(%dma_start3A_297 : memref<128x128xf32, #tpu.memory_space<vmem>>) offsets(%dma_start3A_300 : memref<128xi32, #tpu.memory_space<vmem>>) semaphore(%arg10 : memref<!tpu.dma_semaphore, #tpu.memory_space<semaphore_mem>>)
      } else {
      }
      %mul3A_119 = arith.constant 5 : i32
      %mul3A_120 = arith.muli %add3A_79, %mul3A_119 : i32
      %add3A_121 = arith.constant 1 : i32
      %add3A_122 = arith.addi %mul3A_120, %add3A_121 : i32
      %dma_wait3A_123 = arith.constant 1 : i32
      %dma_wait3A_124 = arith.constant 0 : i32
      %dma_wait3A_125 = arith.constant 0 : i32
      %dma_wait3A_126 = tpu.memref_slice %arg6[%dma_wait3A_123, %dma_wait3A_124, %dma_wait3A_125] : memref<5x128x128xf32, #tpu.memory_space<vmem>> -> memref<1x128x128xf32, #tpu.memory_space<vmem>>
      %dma_wait3A_127 = tpu.memref_squeeze %dma_wait3A_126 : memref<1x128x128xf32, #tpu.memory_space<vmem>> -> memref<128x128xf32, #tpu.memory_space<vmem>>
      %dma_wait3A_128 = arith.constant 0 : i32
      %dma_wait3A_129 = tpu.memref_slice %arg5[%add3A_122, %dma_wait3A_128] : memref<200x128xi32, #tpu.memory_space<vmem>> -> memref<1x128xi32, #tpu.memory_space<vmem>>
      %dma_wait3A_130 = tpu.memref_squeeze %dma_wait3A_129 : memref<1x128xi32, #tpu.memory_space<vmem>> -> memref<128xi32, #tpu.memory_space<vmem>>
      %dma_wait3A_131 = arith.constant 0 : i32
      %dma_wait3A_132 = arith.constant 0 : i32
      %dma_wait3A_133 = tpu.memref_slice %arg3[%dma_wait3A_131, %dma_wait3A_132] : memref<1000000x128xf32, #tpu.memory_space<hbm>> -> memref<1000000x128xf32, #tpu.memory_space<hbm>>
      tpu.wait_indirect_dma semaphore(%arg8 : memref<!tpu.dma_semaphore, #tpu.memory_space<semaphore_mem>>) src(%dma_wait3A_133 : memref<1000000x128xf32, #tpu.memory_space<hbm>>) dst(%dma_wait3A_127 : memref<128x128xf32, #tpu.memory_space<vmem>>)
      %add3A_134 = arith.addi %mul3A_2, %add3A_122 : i32
      %mul3A_135 = arith.constant 128 : i32
      %mul3A_136 = arith.muli %add3A_134, %mul3A_135 : i32
      %dma_start3A_137 = arith.constant 1 : i32
      %dma_start3A_138 = arith.constant 0 : i32
      %dma_start3A_139 = arith.constant 0 : i32
      %dma_start3A_140 = tpu.memref_slice %arg6[%dma_start3A_137, %dma_start3A_138, %dma_start3A_139] : memref<5x128x128xf32, #tpu.memory_space<vmem>> -> memref<1x128x128xf32, #tpu.memory_space<vmem>>
      %dma_start3A_141 = tpu.memref_squeeze %dma_start3A_140 : memref<1x128x128xf32, #tpu.memory_space<vmem>> -> memref<128x128xf32, #tpu.memory_space<vmem>>
      %dma_start3A_142 = arith.constant 0 : i32
      %dma_start3A_143 = tpu.memref_slice %arg4[%mul3A_136, %dma_start3A_142] : memref<819200x128xf32, #tpu.memory_space<hbm>> -> memref<128x128xf32, #tpu.memory_space<hbm>>
      %dma_start3A_144 = arith.constant 0 : i32
      %dma_start3A_145 = tpu.memref_slice %arg4[%mul3A_136, %dma_start3A_144] : memref<819200x128xf32, #tpu.memory_space<hbm>> -> memref<128x128xf32, #tpu.memory_space<hbm>>
      %dma_start3A_146 = arith.constant 0 : i32
      %dma_start3A_147 = arith.constant 0 : i32
      %dma_start3A_148 = tpu.memref_slice %arg6[%dma_start3A_137, %dma_start3A_146, %dma_start3A_147] : memref<5x128x128xf32, #tpu.memory_space<vmem>> -> memref<1x128x128xf32, #tpu.memory_space<vmem>>
      %dma_start3A_149 = tpu.memref_squeeze %dma_start3A_148 : memref<1x128x128xf32, #tpu.memory_space<vmem>> -> memref<128x128xf32, #tpu.memory_space<vmem>>
      tpu.enqueue_dma source(%dma_start3A_149 : memref<128x128xf32, #tpu.memory_space<vmem>>) target(%dma_start3A_145 : memref<128x128xf32, #tpu.memory_space<hbm>>) target_semaphore(%arg13 : memref<!tpu.dma_semaphore, #tpu.memory_space<semaphore_mem>>)
      %ge3A_150 = arith.constant 2 : i32
      %ge3A_151 = arith.cmpi sge, %add3A_122, %ge3A_150 : i32
      %convert_element_type3A_152 = arith.extui %ge3A_151 : i1 to i32
      %cond3A_153 = arith.constant 0 : i32
      %cond3A_154 = arith.cmpi ne, %convert_element_type3A_152, %cond3A_153 : i32
      scf.if %cond3A_154 {
        %sub3A = arith.constant 2 : i32
        %sub3A_291 = arith.subi %add3A_122, %sub3A : i32
        %add3A_292 = arith.addi %mul3A_2, %sub3A_291 : i32
        %mul3A_293 = arith.constant 128 : i32
        %mul3A_294 = arith.muli %add3A_292, %mul3A_293 : i32
        %dma_wait3A_295 = arith.constant 4 : i32
        %dma_wait3A_296 = arith.constant 0 : i32
        %dma_wait3A_297 = arith.constant 0 : i32
        %dma_wait3A_298 = tpu.memref_slice %arg6[%dma_wait3A_295, %dma_wait3A_296, %dma_wait3A_297] : memref<5x128x128xf32, #tpu.memory_space<vmem>> -> memref<1x128x128xf32, #tpu.memory_space<vmem>>
        %dma_wait3A_299 = tpu.memref_squeeze %dma_wait3A_298 : memref<1x128x128xf32, #tpu.memory_space<vmem>> -> memref<128x128xf32, #tpu.memory_space<vmem>>
        %dma_wait3A_300 = arith.constant 0 : i32
        %dma_wait3A_301 = tpu.memref_slice %arg4[%mul3A_294, %dma_wait3A_300] : memref<819200x128xf32, #tpu.memory_space<hbm>> -> memref<128x128xf32, #tpu.memory_space<hbm>>
        %dma_wait3A_302 = arith.constant 0 : i32
        %dma_wait3A_303 = tpu.memref_slice %arg4[%mul3A_294, %dma_wait3A_302] : memref<819200x128xf32, #tpu.memory_space<hbm>> -> memref<128x128xf32, #tpu.memory_space<hbm>>
        %dma_wait3A_304 = arith.constant 0 : i32
        %dma_wait3A_305 = arith.constant 0 : i32
        %dma_wait3A_306 = tpu.memref_slice %arg6[%dma_wait3A_295, %dma_wait3A_304, %dma_wait3A_305] : memref<5x128x128xf32, #tpu.memory_space<vmem>> -> memref<1x128x128xf32, #tpu.memory_space<vmem>>
        %dma_wait3A_307 = tpu.memref_squeeze %dma_wait3A_306 : memref<1x128x128xf32, #tpu.memory_space<vmem>> -> memref<128x128xf32, #tpu.memory_space<vmem>>
        tpu.wait_dma2 semaphore(%arg16 : memref<!tpu.dma_semaphore, #tpu.memory_space<semaphore_mem>>) src(%dma_wait3A_307 : memref<128x128xf32, #tpu.memory_space<vmem>>) dst(%dma_wait3A_303 : memref<128x128xf32, #tpu.memory_space<hbm>>)
      } else {
      }
      %add3A_155 = arith.constant 3 : i32
      %add3A_156 = arith.addi %add3A_122, %add3A_155 : i32
      %lt3A_157 = arith.constant 200 : i32
      %lt3A_158 = arith.cmpi slt, %add3A_156, %lt3A_157 : i32
      %convert_element_type3A_159 = arith.extui %lt3A_158 : i1 to i32
      %cond3A_160 = arith.constant 0 : i32
      %cond3A_161 = arith.cmpi ne, %convert_element_type3A_159, %cond3A_160 : i32
      scf.if %cond3A_161 {
        %add3A_291 = arith.constant 3 : i32
        %add3A_292 = arith.addi %add3A_122, %add3A_291 : i32
        %dma_start3A_293 = arith.constant 4 : i32
        %dma_start3A_294 = arith.constant 0 : i32
        %dma_start3A_295 = arith.constant 0 : i32
        %dma_start3A_296 = tpu.memref_slice %arg6[%dma_start3A_293, %dma_start3A_294, %dma_start3A_295] : memref<5x128x128xf32, #tpu.memory_space<vmem>> -> memref<1x128x128xf32, #tpu.memory_space<vmem>>
        %dma_start3A_297 = tpu.memref_squeeze %dma_start3A_296 : memref<1x128x128xf32, #tpu.memory_space<vmem>> -> memref<128x128xf32, #tpu.memory_space<vmem>>
        %dma_start3A_298 = arith.constant 0 : i32
        %dma_start3A_299 = tpu.memref_slice %arg5[%add3A_292, %dma_start3A_298] : memref<200x128xi32, #tpu.memory_space<vmem>> -> memref<1x128xi32, #tpu.memory_space<vmem>>
        %dma_start3A_300 = tpu.memref_squeeze %dma_start3A_299 : memref<1x128xi32, #tpu.memory_space<vmem>> -> memref<128xi32, #tpu.memory_space<vmem>>
        %dma_start3A_301 = arith.constant 0 : i32
        %dma_start3A_302 = arith.constant 0 : i32
        %dma_start3A_303 = tpu.memref_slice %arg3[%dma_start3A_301, %dma_start3A_302] : memref<1000000x128xf32, #tpu.memory_space<hbm>> -> memref<1000000x128xf32, #tpu.memory_space<hbm>>
        tpu.enqueue_indirect_dma source(%dma_start3A_303 : memref<1000000x128xf32, #tpu.memory_space<hbm>>) target(%dma_start3A_297 : memref<128x128xf32, #tpu.memory_space<vmem>>) offsets(%dma_start3A_300 : memref<128xi32, #tpu.memory_space<vmem>>) semaphore(%arg11 : memref<!tpu.dma_semaphore, #tpu.memory_space<semaphore_mem>>)
      } else {
      }
      %mul3A_162 = arith.constant 5 : i32
      %mul3A_163 = arith.muli %add3A_79, %mul3A_162 : i32
      %add3A_164 = arith.constant 2 : i32
      %add3A_165 = arith.addi %mul3A_163, %add3A_164 : i32
      %dma_wait3A_166 = arith.constant 2 : i32
      %dma_wait3A_167 = arith.constant 0 : i32
      %dma_wait3A_168 = arith.constant 0 : i32
      %dma_wait3A_169 = tpu.memref_slice %arg6[%dma_wait3A_166, %dma_wait3A_167, %dma_wait3A_168] : memref<5x128x128xf32, #tpu.memory_space<vmem>> -> memref<1x128x128xf32, #tpu.memory_space<vmem>>
      %dma_wait3A_170 = tpu.memref_squeeze %dma_wait3A_169 : memref<1x128x128xf32, #tpu.memory_space<vmem>> -> memref<128x128xf32, #tpu.memory_space<vmem>>
      %dma_wait3A_171 = arith.constant 0 : i32
      %dma_wait3A_172 = tpu.memref_slice %arg5[%add3A_165, %dma_wait3A_171] : memref<200x128xi32, #tpu.memory_space<vmem>> -> memref<1x128xi32, #tpu.memory_space<vmem>>
      %dma_wait3A_173 = tpu.memref_squeeze %dma_wait3A_172 : memref<1x128xi32, #tpu.memory_space<vmem>> -> memref<128xi32, #tpu.memory_space<vmem>>
      %dma_wait3A_174 = arith.constant 0 : i32
      %dma_wait3A_175 = arith.constant 0 : i32
      %dma_wait3A_176 = tpu.memref_slice %arg3[%dma_wait3A_174, %dma_wait3A_175] : memref<1000000x128xf32, #tpu.memory_space<hbm>> -> memref<1000000x128xf32, #tpu.memory_space<hbm>>
      tpu.wait_indirect_dma semaphore(%arg9 : memref<!tpu.dma_semaphore, #tpu.memory_space<semaphore_mem>>) src(%dma_wait3A_176 : memref<1000000x128xf32, #tpu.memory_space<hbm>>) dst(%dma_wait3A_170 : memref<128x128xf32, #tpu.memory_space<vmem>>)
      %add3A_177 = arith.addi %mul3A_2, %add3A_165 : i32
      %mul3A_178 = arith.constant 128 : i32
      %mul3A_179 = arith.muli %add3A_177, %mul3A_178 : i32
      %dma_start3A_180 = arith.constant 2 : i32
      %dma_start3A_181 = arith.constant 0 : i32
      %dma_start3A_182 = arith.constant 0 : i32
      %dma_start3A_183 = tpu.memref_slice %arg6[%dma_start3A_180, %dma_start3A_181, %dma_start3A_182] : memref<5x128x128xf32, #tpu.memory_space<vmem>> -> memref<1x128x128xf32, #tpu.memory_space<vmem>>
      %dma_start3A_184 = tpu.memref_squeeze %dma_start3A_183 : memref<1x128x128xf32, #tpu.memory_space<vmem>> -> memref<128x128xf32, #tpu.memory_space<vmem>>
      %dma_start3A_185 = arith.constant 0 : i32
      %dma_start3A_186 = tpu.memref_slice %arg4[%mul3A_179, %dma_start3A_185] : memref<819200x128xf32, #tpu.memory_space<hbm>> -> memref<128x128xf32, #tpu.memory_space<hbm>>
      %dma_start3A_187 = arith.constant 0 : i32
      %dma_start3A_188 = tpu.memref_slice %arg4[%mul3A_179, %dma_start3A_187] : memref<819200x128xf32, #tpu.memory_space<hbm>> -> memref<128x128xf32, #tpu.memory_space<hbm>>
      %dma_start3A_189 = arith.constant 0 : i32
      %dma_start3A_190 = arith.constant 0 : i32
      %dma_start3A_191 = tpu.memref_slice %arg6[%dma_start3A_180, %dma_start3A_189, %dma_start3A_190] : memref<5x128x128xf32, #tpu.memory_space<vmem>> -> memref<1x128x128xf32, #tpu.memory_space<vmem>>
      %dma_start3A_192 = tpu.memref_squeeze %dma_start3A_191 : memref<1x128x128xf32, #tpu.memory_space<vmem>> -> memref<128x128xf32, #tpu.memory_space<vmem>>
      tpu.enqueue_dma source(%dma_start3A_192 : memref<128x128xf32, #tpu.memory_space<vmem>>) target(%dma_start3A_188 : memref<128x128xf32, #tpu.memory_space<hbm>>) target_semaphore(%arg14 : memref<!tpu.dma_semaphore, #tpu.memory_space<semaphore_mem>>)
      %ge3A_193 = arith.constant 2 : i32
      %ge3A_194 = arith.cmpi sge, %add3A_165, %ge3A_193 : i32
      %convert_element_type3A_195 = arith.extui %ge3A_194 : i1 to i32
      %cond3A_196 = arith.constant 0 : i32
      %cond3A_197 = arith.cmpi ne, %convert_element_type3A_195, %cond3A_196 : i32
      scf.if %cond3A_197 {
        %sub3A = arith.constant 2 : i32
        %sub3A_291 = arith.subi %add3A_165, %sub3A : i32
        %add3A_292 = arith.addi %mul3A_2, %sub3A_291 : i32
        %mul3A_293 = arith.constant 128 : i32
        %mul3A_294 = arith.muli %add3A_292, %mul3A_293 : i32
        %dma_wait3A_295 = arith.constant 0 : i32
        %dma_wait3A_296 = arith.constant 0 : i32
        %dma_wait3A_297 = arith.constant 0 : i32
        %dma_wait3A_298 = tpu.memref_slice %arg6[%dma_wait3A_295, %dma_wait3A_296, %dma_wait3A_297] : memref<5x128x128xf32, #tpu.memory_space<vmem>> -> memref<1x128x128xf32, #tpu.memory_space<vmem>>
        %dma_wait3A_299 = tpu.memref_squeeze %dma_wait3A_298 : memref<1x128x128xf32, #tpu.memory_space<vmem>> -> memref<128x128xf32, #tpu.memory_space<vmem>>
        %dma_wait3A_300 = arith.constant 0 : i32
        %dma_wait3A_301 = tpu.memref_slice %arg4[%mul3A_294, %dma_wait3A_300] : memref<819200x128xf32, #tpu.memory_space<hbm>> -> memref<128x128xf32, #tpu.memory_space<hbm>>
        %dma_wait3A_302 = arith.constant 0 : i32
        %dma_wait3A_303 = tpu.memref_slice %arg4[%mul3A_294, %dma_wait3A_302] : memref<819200x128xf32, #tpu.memory_space<hbm>> -> memref<128x128xf32, #tpu.memory_space<hbm>>
        %dma_wait3A_304 = arith.constant 0 : i32
        %dma_wait3A_305 = arith.constant 0 : i32
        %dma_wait3A_306 = tpu.memref_slice %arg6[%dma_wait3A_295, %dma_wait3A_304, %dma_wait3A_305] : memref<5x128x128xf32, #tpu.memory_space<vmem>> -> memref<1x128x128xf32, #tpu.memory_space<vmem>>
        %dma_wait3A_307 = tpu.memref_squeeze %dma_wait3A_306 : memref<1x128x128xf32, #tpu.memory_space<vmem>> -> memref<128x128xf32, #tpu.memory_space<vmem>>
        tpu.wait_dma2 semaphore(%arg12 : memref<!tpu.dma_semaphore, #tpu.memory_space<semaphore_mem>>) src(%dma_wait3A_307 : memref<128x128xf32, #tpu.memory_space<vmem>>) dst(%dma_wait3A_303 : memref<128x128xf32, #tpu.memory_space<hbm>>)
      } else {
      }
      %add3A_198 = arith.constant 3 : i32
      %add3A_199 = arith.addi %add3A_165, %add3A_198 : i32
      %lt3A_200 = arith.constant 200 : i32
      %lt3A_201 = arith.cmpi slt, %add3A_199, %lt3A_200 : i32
      %convert_element_type3A_202 = arith.extui %lt3A_201 : i1 to i32
      %cond3A_203 = arith.constant 0 : i32
      %cond3A_204 = arith.cmpi ne, %convert_element_type3A_202, %cond3A_203 : i32
      scf.if %cond3A_204 {
        %add3A_291 = arith.constant 3 : i32
        %add3A_292 = arith.addi %add3A_165, %add3A_291 : i32
        %dma_start3A_293 = arith.constant 0 : i32
        %dma_start3A_294 = arith.constant 0 : i32
        %dma_start3A_295 = arith.constant 0 : i32
        %dma_start3A_296 = tpu.memref_slice %arg6[%dma_start3A_293, %dma_start3A_294, %dma_start3A_295] : memref<5x128x128xf32, #tpu.memory_space<vmem>> -> memref<1x128x128xf32, #tpu.memory_space<vmem>>
        %dma_start3A_297 = tpu.memref_squeeze %dma_start3A_296 : memref<1x128x128xf32, #tpu.memory_space<vmem>> -> memref<128x128xf32, #tpu.memory_space<vmem>>
        %dma_start3A_298 = arith.constant 0 : i32
        %dma_start3A_299 = tpu.memref_slice %arg5[%add3A_292, %dma_start3A_298] : memref<200x128xi32, #tpu.memory_space<vmem>> -> memref<1x128xi32, #tpu.memory_space<vmem>>
        %dma_start3A_300 = tpu.memref_squeeze %dma_start3A_299 : memref<1x128xi32, #tpu.memory_space<vmem>> -> memref<128xi32, #tpu.memory_space<vmem>>
        %dma_start3A_301 = arith.constant 0 : i32
        %dma_start3A_302 = arith.constant 0 : i32
        %dma_start3A_303 = tpu.memref_slice %arg3[%dma_start3A_301, %dma_start3A_302] : memref<1000000x128xf32, #tpu.memory_space<hbm>> -> memref<1000000x128xf32, #tpu.memory_space<hbm>>
        tpu.enqueue_indirect_dma source(%dma_start3A_303 : memref<1000000x128xf32, #tpu.memory_space<hbm>>) target(%dma_start3A_297 : memref<128x128xf32, #tpu.memory_space<vmem>>) offsets(%dma_start3A_300 : memref<128xi32, #tpu.memory_space<vmem>>) semaphore(%arg7 : memref<!tpu.dma_semaphore, #tpu.memory_space<semaphore_mem>>)
      } else {
      }
      %mul3A_205 = arith.constant 5 : i32
      %mul3A_206 = arith.muli %add3A_79, %mul3A_205 : i32
      %add3A_207 = arith.constant 3 : i32
      %add3A_208 = arith.addi %mul3A_206, %add3A_207 : i32
      %dma_wait3A_209 = arith.constant 3 : i32
      %dma_wait3A_210 = arith.constant 0 : i32
      %dma_wait3A_211 = arith.constant 0 : i32
      %dma_wait3A_212 = tpu.memref_slice %arg6[%dma_wait3A_209, %dma_wait3A_210, %dma_wait3A_211] : memref<5x128x128xf32, #tpu.memory_space<vmem>> -> memref<1x128x128xf32, #tpu.memory_space<vmem>>
      %dma_wait3A_213 = tpu.memref_squeeze %dma_wait3A_212 : memref<1x128x128xf32, #tpu.memory_space<vmem>> -> memref<128x128xf32, #tpu.memory_space<vmem>>
      %dma_wait3A_214 = arith.constant 0 : i32
      %dma_wait3A_215 = tpu.memref_slice %arg5[%add3A_208, %dma_wait3A_214] : memref<200x128xi32, #tpu.memory_space<vmem>> -> memref<1x128xi32, #tpu.memory_space<vmem>>
      %dma_wait3A_216 = tpu.memref_squeeze %dma_wait3A_215 : memref<1x128xi32, #tpu.memory_space<vmem>> -> memref<128xi32, #tpu.memory_space<vmem>>
      %dma_wait3A_217 = arith.constant 0 : i32
      %dma_wait3A_218 = arith.constant 0 : i32
      %dma_wait3A_219 = tpu.memref_slice %arg3[%dma_wait3A_217, %dma_wait3A_218] : memref<1000000x128xf32, #tpu.memory_space<hbm>> -> memref<1000000x128xf32, #tpu.memory_space<hbm>>
      tpu.wait_indirect_dma semaphore(%arg10 : memref<!tpu.dma_semaphore, #tpu.memory_space<semaphore_mem>>) src(%dma_wait3A_219 : memref<1000000x128xf32, #tpu.memory_space<hbm>>) dst(%dma_wait3A_213 : memref<128x128xf32, #tpu.memory_space<vmem>>)
      %add3A_220 = arith.addi %mul3A_2, %add3A_208 : i32
      %mul3A_221 = arith.constant 128 : i32
      %mul3A_222 = arith.muli %add3A_220, %mul3A_221 : i32
      %dma_start3A_223 = arith.constant 3 : i32
      %dma_start3A_224 = arith.constant 0 : i32
      %dma_start3A_225 = arith.constant 0 : i32
      %dma_start3A_226 = tpu.memref_slice %arg6[%dma_start3A_223, %dma_start3A_224, %dma_start3A_225] : memref<5x128x128xf32, #tpu.memory_space<vmem>> -> memref<1x128x128xf32, #tpu.memory_space<vmem>>
      %dma_start3A_227 = tpu.memref_squeeze %dma_start3A_226 : memref<1x128x128xf32, #tpu.memory_space<vmem>> -> memref<128x128xf32, #tpu.memory_space<vmem>>
      %dma_start3A_228 = arith.constant 0 : i32
      %dma_start3A_229 = tpu.memref_slice %arg4[%mul3A_222, %dma_start3A_228] : memref<819200x128xf32, #tpu.memory_space<hbm>> -> memref<128x128xf32, #tpu.memory_space<hbm>>
      %dma_start3A_230 = arith.constant 0 : i32
      %dma_start3A_231 = tpu.memref_slice %arg4[%mul3A_222, %dma_start3A_230] : memref<819200x128xf32, #tpu.memory_space<hbm>> -> memref<128x128xf32, #tpu.memory_space<hbm>>
      %dma_start3A_232 = arith.constant 0 : i32
      %dma_start3A_233 = arith.constant 0 : i32
      %dma_start3A_234 = tpu.memref_slice %arg6[%dma_start3A_223, %dma_start3A_232, %dma_start3A_233] : memref<5x128x128xf32, #tpu.memory_space<vmem>> -> memref<1x128x128xf32, #tpu.memory_space<vmem>>
      %dma_start3A_235 = tpu.memref_squeeze %dma_start3A_234 : memref<1x128x128xf32, #tpu.memory_space<vmem>> -> memref<128x128xf32, #tpu.memory_space<vmem>>
      tpu.enqueue_dma source(%dma_start3A_235 : memref<128x128xf32, #tpu.memory_space<vmem>>) target(%dma_start3A_231 : memref<128x128xf32, #tpu.memory_space<hbm>>) target_semaphore(%arg15 : memref<!tpu.dma_semaphore, #tpu.memory_space<semaphore_mem>>)
      %ge3A_236 = arith.constant 2 : i32
      %ge3A_237 = arith.cmpi sge, %add3A_208, %ge3A_236 : i32
      %convert_element_type3A_238 = arith.extui %ge3A_237 : i1 to i32
      %cond3A_239 = arith.constant 0 : i32
      %cond3A_240 = arith.cmpi ne, %convert_element_type3A_238, %cond3A_239 : i32
      scf.if %cond3A_240 {
        %sub3A = arith.constant 2 : i32
        %sub3A_291 = arith.subi %add3A_208, %sub3A : i32
        %add3A_292 = arith.addi %mul3A_2, %sub3A_291 : i32
        %mul3A_293 = arith.constant 128 : i32
        %mul3A_294 = arith.muli %add3A_292, %mul3A_293 : i32
        %dma_wait3A_295 = arith.constant 1 : i32
        %dma_wait3A_296 = arith.constant 0 : i32
        %dma_wait3A_297 = arith.constant 0 : i32
        %dma_wait3A_298 = tpu.memref_slice %arg6[%dma_wait3A_295, %dma_wait3A_296, %dma_wait3A_297] : memref<5x128x128xf32, #tpu.memory_space<vmem>> -> memref<1x128x128xf32, #tpu.memory_space<vmem>>
        %dma_wait3A_299 = tpu.memref_squeeze %dma_wait3A_298 : memref<1x128x128xf32, #tpu.memory_space<vmem>> -> memref<128x128xf32, #tpu.memory_space<vmem>>
        %dma_wait3A_300 = arith.constant 0 : i32
        %dma_wait3A_301 = tpu.memref_slice %arg4[%mul3A_294, %dma_wait3A_300] : memref<819200x128xf32, #tpu.memory_space<hbm>> -> memref<128x128xf32, #tpu.memory_space<hbm>>
        %dma_wait3A_302 = arith.constant 0 : i32
        %dma_wait3A_303 = tpu.memref_slice %arg4[%mul3A_294, %dma_wait3A_302] : memref<819200x128xf32, #tpu.memory_space<hbm>> -> memref<128x128xf32, #tpu.memory_space<hbm>>
        %dma_wait3A_304 = arith.constant 0 : i32
        %dma_wait3A_305 = arith.constant 0 : i32
        %dma_wait3A_306 = tpu.memref_slice %arg6[%dma_wait3A_295, %dma_wait3A_304, %dma_wait3A_305] : memref<5x128x128xf32, #tpu.memory_space<vmem>> -> memref<1x128x128xf32, #tpu.memory_space<vmem>>
        %dma_wait3A_307 = tpu.memref_squeeze %dma_wait3A_306 : memref<1x128x128xf32, #tpu.memory_space<vmem>> -> memref<128x128xf32, #tpu.memory_space<vmem>>
        tpu.wait_dma2 semaphore(%arg13 : memref<!tpu.dma_semaphore, #tpu.memory_space<semaphore_mem>>) src(%dma_wait3A_307 : memref<128x128xf32, #tpu.memory_space<vmem>>) dst(%dma_wait3A_303 : memref<128x128xf32, #tpu.memory_space<hbm>>)
      } else {
      }
      %add3A_241 = arith.constant 3 : i32
      %add3A_242 = arith.addi %add3A_208, %add3A_241 : i32
      %lt3A_243 = arith.constant 200 : i32
      %lt3A_244 = arith.cmpi slt, %add3A_242, %lt3A_243 : i32
      %convert_element_type3A_245 = arith.extui %lt3A_244 : i1 to i32
      %cond3A_246 = arith.constant 0 : i32
      %cond3A_247 = arith.cmpi ne, %convert_element_type3A_245, %cond3A_246 : i32
      scf.if %cond3A_247 {
        %add3A_291 = arith.constant 3 : i32
        %add3A_292 = arith.addi %add3A_208, %add3A_291 : i32
        %dma_start3A_293 = arith.constant 1 : i32
        %dma_start3A_294 = arith.constant 0 : i32
        %dma_start3A_295 = arith.constant 0 : i32
        %dma_start3A_296 = tpu.memref_slice %arg6[%dma_start3A_293, %dma_start3A_294, %dma_start3A_295] : memref<5x128x128xf32, #tpu.memory_space<vmem>> -> memref<1x128x128xf32, #tpu.memory_space<vmem>>
        %dma_start3A_297 = tpu.memref_squeeze %dma_start3A_296 : memref<1x128x128xf32, #tpu.memory_space<vmem>> -> memref<128x128xf32, #tpu.memory_space<vmem>>
        %dma_start3A_298 = arith.constant 0 : i32
        %dma_start3A_299 = tpu.memref_slice %arg5[%add3A_292, %dma_start3A_298] : memref<200x128xi32, #tpu.memory_space<vmem>> -> memref<1x128xi32, #tpu.memory_space<vmem>>
        %dma_start3A_300 = tpu.memref_squeeze %dma_start3A_299 : memref<1x128xi32, #tpu.memory_space<vmem>> -> memref<128xi32, #tpu.memory_space<vmem>>
        %dma_start3A_301 = arith.constant 0 : i32
        %dma_start3A_302 = arith.constant 0 : i32
        %dma_start3A_303 = tpu.memref_slice %arg3[%dma_start3A_301, %dma_start3A_302] : memref<1000000x128xf32, #tpu.memory_space<hbm>> -> memref<1000000x128xf32, #tpu.memory_space<hbm>>
        tpu.enqueue_indirect_dma source(%dma_start3A_303 : memref<1000000x128xf32, #tpu.memory_space<hbm>>) target(%dma_start3A_297 : memref<128x128xf32, #tpu.memory_space<vmem>>) offsets(%dma_start3A_300 : memref<128xi32, #tpu.memory_space<vmem>>) semaphore(%arg8 : memref<!tpu.dma_semaphore, #tpu.memory_space<semaphore_mem>>)
      } else {
      }
      %mul3A_248 = arith.constant 5 : i32
      %mul3A_249 = arith.muli %add3A_79, %mul3A_248 : i32
      %add3A_250 = arith.constant 4 : i32
      %add3A_251 = arith.addi %mul3A_249, %add3A_250 : i32
      %dma_wait3A_252 = arith.constant 4 : i32
      %dma_wait3A_253 = arith.constant 0 : i32
      %dma_wait3A_254 = arith.constant 0 : i32
      %dma_wait3A_255 = tpu.memref_slice %arg6[%dma_wait3A_252, %dma_wait3A_253, %dma_wait3A_254] : memref<5x128x128xf32, #tpu.memory_space<vmem>> -> memref<1x128x128xf32, #tpu.memory_space<vmem>>
      %dma_wait3A_256 = tpu.memref_squeeze %dma_wait3A_255 : memref<1x128x128xf32, #tpu.memory_space<vmem>> -> memref<128x128xf32, #tpu.memory_space<vmem>>
      %dma_wait3A_257 = arith.constant 0 : i32
      %dma_wait3A_258 = tpu.memref_slice %arg5[%add3A_251, %dma_wait3A_257] : memref<200x128xi32, #tpu.memory_space<vmem>> -> memref<1x128xi32, #tpu.memory_space<vmem>>
      %dma_wait3A_259 = tpu.memref_squeeze %dma_wait3A_258 : memref<1x128xi32, #tpu.memory_space<vmem>> -> memref<128xi32, #tpu.memory_space<vmem>>
      %dma_wait3A_260 = arith.constant 0 : i32
      %dma_wait3A_261 = arith.constant 0 : i32
      %dma_wait3A_262 = tpu.memref_slice %arg3[%dma_wait3A_260, %dma_wait3A_261] : memref<1000000x128xf32, #tpu.memory_space<hbm>> -> memref<1000000x128xf32, #tpu.memory_space<hbm>>
      tpu.wait_indirect_dma semaphore(%arg11 : memref<!tpu.dma_semaphore, #tpu.memory_space<semaphore_mem>>) src(%dma_wait3A_262 : memref<1000000x128xf32, #tpu.memory_space<hbm>>) dst(%dma_wait3A_256 : memref<128x128xf32, #tpu.memory_space<vmem>>)
      %add3A_263 = arith.addi %mul3A_2, %add3A_251 : i32
      %mul3A_264 = arith.constant 128 : i32
      %mul3A_265 = arith.muli %add3A_263, %mul3A_264 : i32
      %dma_start3A_266 = arith.constant 4 : i32
      %dma_start3A_267 = arith.constant 0 : i32
      %dma_start3A_268 = arith.constant 0 : i32
      %dma_start3A_269 = tpu.memref_slice %arg6[%dma_start3A_266, %dma_start3A_267, %dma_start3A_268] : memref<5x128x128xf32, #tpu.memory_space<vmem>> -> memref<1x128x128xf32, #tpu.memory_space<vmem>>
      %dma_start3A_270 = tpu.memref_squeeze %dma_start3A_269 : memref<1x128x128xf32, #tpu.memory_space<vmem>> -> memref<128x128xf32, #tpu.memory_space<vmem>>
      %dma_start3A_271 = arith.constant 0 : i32
      %dma_start3A_272 = tpu.memref_slice %arg4[%mul3A_265, %dma_start3A_271] : memref<819200x128xf32, #tpu.memory_space<hbm>> -> memref<128x128xf32, #tpu.memory_space<hbm>>
      %dma_start3A_273 = arith.constant 0 : i32
      %dma_start3A_274 = tpu.memref_slice %arg4[%mul3A_265, %dma_start3A_273] : memref<819200x128xf32, #tpu.memory_space<hbm>> -> memref<128x128xf32, #tpu.memory_space<hbm>>
      %dma_start3A_275 = arith.constant 0 : i32
      %dma_start3A_276 = arith.constant 0 : i32
      %dma_start3A_277 = tpu.memref_slice %arg6[%dma_start3A_266, %dma_start3A_275, %dma_start3A_276] : memref<5x128x128xf32, #tpu.memory_space<vmem>> -> memref<1x128x128xf32, #tpu.memory_space<vmem>>
      %dma_start3A_278 = tpu.memref_squeeze %dma_start3A_277 : memref<1x128x128xf32, #tpu.memory_space<vmem>> -> memref<128x128xf32, #tpu.memory_space<vmem>>
      tpu.enqueue_dma source(%dma_start3A_278 : memref<128x128xf32, #tpu.memory_space<vmem>>) target(%dma_start3A_274 : memref<128x128xf32, #tpu.memory_space<hbm>>) target_semaphore(%arg16 : memref<!tpu.dma_semaphore, #tpu.memory_space<semaphore_mem>>)
      %ge3A_279 = arith.constant 2 : i32
      %ge3A_280 = arith.cmpi sge, %add3A_251, %ge3A_279 : i32
      %convert_element_type3A_281 = arith.extui %ge3A_280 : i1 to i32
      %cond3A_282 = arith.constant 0 : i32
      %cond3A_283 = arith.cmpi ne, %convert_element_type3A_281, %cond3A_282 : i32
      scf.if %cond3A_283 {
        %sub3A = arith.constant 2 : i32
        %sub3A_291 = arith.subi %add3A_251, %sub3A : i32
        %add3A_292 = arith.addi %mul3A_2, %sub3A_291 : i32
        %mul3A_293 = arith.constant 128 : i32
        %mul3A_294 = arith.muli %add3A_292, %mul3A_293 : i32
        %dma_wait3A_295 = arith.constant 2 : i32
        %dma_wait3A_296 = arith.constant 0 : i32
        %dma_wait3A_297 = arith.constant 0 : i32
        %dma_wait3A_298 = tpu.memref_slice %arg6[%dma_wait3A_295, %dma_wait3A_296, %dma_wait3A_297] : memref<5x128x128xf32, #tpu.memory_space<vmem>> -> memref<1x128x128xf32, #tpu.memory_space<vmem>>
        %dma_wait3A_299 = tpu.memref_squeeze %dma_wait3A_298 : memref<1x128x128xf32, #tpu.memory_space<vmem>> -> memref<128x128xf32, #tpu.memory_space<vmem>>
        %dma_wait3A_300 = arith.constant 0 : i32
        %dma_wait3A_301 = tpu.memref_slice %arg4[%mul3A_294, %dma_wait3A_300] : memref<819200x128xf32, #tpu.memory_space<hbm>> -> memref<128x128xf32, #tpu.memory_space<hbm>>
        %dma_wait3A_302 = arith.constant 0 : i32
        %dma_wait3A_303 = tpu.memref_slice %arg4[%mul3A_294, %dma_wait3A_302] : memref<819200x128xf32, #tpu.memory_space<hbm>> -> memref<128x128xf32, #tpu.memory_space<hbm>>
        %dma_wait3A_304 = arith.constant 0 : i32
        %dma_wait3A_305 = arith.constant 0 : i32
        %dma_wait3A_306 = tpu.memref_slice %arg6[%dma_wait3A_295, %dma_wait3A_304, %dma_wait3A_305] : memref<5x128x128xf32, #tpu.memory_space<vmem>> -> memref<1x128x128xf32, #tpu.memory_space<vmem>>
        %dma_wait3A_307 = tpu.memref_squeeze %dma_wait3A_306 : memref<1x128x128xf32, #tpu.memory_space<vmem>> -> memref<128x128xf32, #tpu.memory_space<vmem>>
        tpu.wait_dma2 semaphore(%arg14 : memref<!tpu.dma_semaphore, #tpu.memory_space<semaphore_mem>>) src(%dma_wait3A_307 : memref<128x128xf32, #tpu.memory_space<vmem>>) dst(%dma_wait3A_303 : memref<128x128xf32, #tpu.memory_space<hbm>>)
      } else {
      }
      %add3A_284 = arith.constant 3 : i32
      %add3A_285 = arith.addi %add3A_251, %add3A_284 : i32
      %lt3A_286 = arith.constant 200 : i32
      %lt3A_287 = arith.cmpi slt, %add3A_285, %lt3A_286 : i32
      %convert_element_type3A_288 = arith.extui %lt3A_287 : i1 to i32
      %cond3A_289 = arith.constant 0 : i32
      %cond3A_290 = arith.cmpi ne, %convert_element_type3A_288, %cond3A_289 : i32
      scf.if %cond3A_290 {
        %add3A_291 = arith.constant 3 : i32
        %add3A_292 = arith.addi %add3A_251, %add3A_291 : i32
        %dma_start3A_293 = arith.constant 2 : i32
        %dma_start3A_294 = arith.constant 0 : i32
        %dma_start3A_295 = arith.constant 0 : i32
        %dma_start3A_296 = tpu.memref_slice %arg6[%dma_start3A_293, %dma_start3A_294, %dma_start3A_295] : memref<5x128x128xf32, #tpu.memory_space<vmem>> -> memref<1x128x128xf32, #tpu.memory_space<vmem>>
        %dma_start3A_297 = tpu.memref_squeeze %dma_start3A_296 : memref<1x128x128xf32, #tpu.memory_space<vmem>> -> memref<128x128xf32, #tpu.memory_space<vmem>>
        %dma_start3A_298 = arith.constant 0 : i32
        %dma_start3A_299 = tpu.memref_slice %arg5[%add3A_292, %dma_start3A_298] : memref<200x128xi32, #tpu.memory_space<vmem>> -> memref<1x128xi32, #tpu.memory_space<vmem>>
        %dma_start3A_300 = tpu.memref_squeeze %dma_start3A_299 : memref<1x128xi32, #tpu.memory_space<vmem>> -> memref<128xi32, #tpu.memory_space<vmem>>
        %dma_start3A_301 = arith.constant 0 : i32
        %dma_start3A_302 = arith.constant 0 : i32
        %dma_start3A_303 = tpu.memref_slice %arg3[%dma_start3A_301, %dma_start3A_302] : memref<1000000x128xf32, #tpu.memory_space<hbm>> -> memref<1000000x128xf32, #tpu.memory_space<hbm>>
        tpu.enqueue_indirect_dma source(%dma_start3A_303 : memref<1000000x128xf32, #tpu.memory_space<hbm>>) target(%dma_start3A_297 : memref<128x128xf32, #tpu.memory_space<vmem>>) offsets(%dma_start3A_300 : memref<128xi32, #tpu.memory_space<vmem>>) semaphore(%arg9 : memref<!tpu.dma_semaphore, #tpu.memory_space<semaphore_mem>>)
      } else {
      }
    }
    %scan3A_41 = arith.constant 40 : i32
    %add3A_42 = arith.constant 198 : i32
    %add3A_43 = arith.addi %mul3A_2, %add3A_42 : i32
    %mul3A_44 = arith.constant 128 : i32
    %mul3A_45 = arith.muli %add3A_43, %mul3A_44 : i32
    %dma_wait3A = arith.constant 3 : i32
    %dma_wait3A_46 = arith.constant 0 : i32
    %dma_wait3A_47 = arith.constant 0 : i32
    %dma_wait3A_48 = tpu.memref_slice %arg6[%dma_wait3A, %dma_wait3A_46, %dma_wait3A_47] : memref<5x128x128xf32, #tpu.memory_space<vmem>> -> memref<1x128x128xf32, #tpu.memory_space<vmem>>
    %dma_wait3A_49 = tpu.memref_squeeze %dma_wait3A_48 : memref<1x128x128xf32, #tpu.memory_space<vmem>> -> memref<128x128xf32, #tpu.memory_space<vmem>>
    %dma_wait3A_50 = arith.constant 0 : i32
    %dma_wait3A_51 = tpu.memref_slice %arg4[%mul3A_45, %dma_wait3A_50] : memref<819200x128xf32, #tpu.memory_space<hbm>> -> memref<128x128xf32, #tpu.memory_space<hbm>>
    %dma_wait3A_52 = arith.constant 0 : i32
    %dma_wait3A_53 = tpu.memref_slice %arg4[%mul3A_45, %dma_wait3A_52] : memref<819200x128xf32, #tpu.memory_space<hbm>> -> memref<128x128xf32, #tpu.memory_space<hbm>>
    %dma_wait3A_54 = arith.constant 0 : i32
    %dma_wait3A_55 = arith.constant 0 : i32
    %dma_wait3A_56 = tpu.memref_slice %arg6[%dma_wait3A, %dma_wait3A_54, %dma_wait3A_55] : memref<5x128x128xf32, #tpu.memory_space<vmem>> -> memref<1x128x128xf32, #tpu.memory_space<vmem>>
    %dma_wait3A_57 = tpu.memref_squeeze %dma_wait3A_56 : memref<1x128x128xf32, #tpu.memory_space<vmem>> -> memref<128x128xf32, #tpu.memory_space<vmem>>
    tpu.wait_dma2 semaphore(%arg15 : memref<!tpu.dma_semaphore, #tpu.memory_space<semaphore_mem>>) src(%dma_wait3A_57 : memref<128x128xf32, #tpu.memory_space<vmem>>) dst(%dma_wait3A_53 : memref<128x128xf32, #tpu.memory_space<hbm>>)
    %add3A_58 = arith.constant 199 : i32
    %add3A_59 = arith.addi %mul3A_2, %add3A_58 : i32
    %mul3A_60 = arith.constant 128 : i32
    %mul3A_61 = arith.muli %add3A_59, %mul3A_60 : i32
    %dma_wait3A_62 = arith.constant 4 : i32
    %dma_wait3A_63 = arith.constant 0 : i32
    %dma_wait3A_64 = arith.constant 0 : i32
    %dma_wait3A_65 = tpu.memref_slice %arg6[%dma_wait3A_62, %dma_wait3A_63, %dma_wait3A_64] : memref<5x128x128xf32, #tpu.memory_space<vmem>> -> memref<1x128x128xf32, #tpu.memory_space<vmem>>
    %dma_wait3A_66 = tpu.memref_squeeze %dma_wait3A_65 : memref<1x128x128xf32, #tpu.memory_space<vmem>> -> memref<128x128xf32, #tpu.memory_space<vmem>>
    %dma_wait3A_67 = arith.constant 0 : i32
    %dma_wait3A_68 = tpu.memref_slice %arg4[%mul3A_61, %dma_wait3A_67] : memref<819200x128xf32, #tpu.memory_space<hbm>> -> memref<128x128xf32, #tpu.memory_space<hbm>>
    %dma_wait3A_69 = arith.constant 0 : i32
    %dma_wait3A_70 = tpu.memref_slice %arg4[%mul3A_61, %dma_wait3A_69] : memref<819200x128xf32, #tpu.memory_space<hbm>> -> memref<128x128xf32, #tpu.memory_space<hbm>>
    %dma_wait3A_71 = arith.constant 0 : i32
    %dma_wait3A_72 = arith.constant 0 : i32
    %dma_wait3A_73 = tpu.memref_slice %arg6[%dma_wait3A_62, %dma_wait3A_71, %dma_wait3A_72] : memref<5x128x128xf32, #tpu.memory_space<vmem>> -> memref<1x128x128xf32, #tpu.memory_space<vmem>>
    %dma_wait3A_74 = tpu.memref_squeeze %dma_wait3A_73 : memref<1x128x128xf32, #tpu.memory_space<vmem>> -> memref<128x128xf32, #tpu.memory_space<vmem>>
    tpu.wait_dma2 semaphore(%arg16 : memref<!tpu.dma_semaphore, #tpu.memory_space<semaphore_mem>>) src(%dma_wait3A_74 : memref<128x128xf32, #tpu.memory_space<vmem>>) dst(%dma_wait3A_70 : memref<128x128xf32, #tpu.memory_space<hbm>>)
    return
  }
}

</mosaic_0001>

<sc_bundles>
// kernel: _embed.3.cloned.1.call-start
scs
__scs_entry_jumppad:
0x0: {  	(pc) =	sbr.rel $0x88, $3  }
0x1: {  	(tag) =	ssettag $0x0;
	lr =	simm.s32 $0x1  }
0x2: {  	[smem:$0x3F9F] =	sst lr;
	_ =	strace $0xD0000000  }
0x3: {  	_ = 	snop  }
0x4: {  	_ = 	snop  }
0x5: {  	_ = 	snop  }
0x6: {  	_ = 	snop  }
0x7: {  	_ = 	snop  }
__scs_overlays_trampoline_lowered:
0x8: {  	[smem:$0x3FAE] =	sst s0  }
0x9: {  	[smem:$0x3FAF] =	sst s1  }
0xa: {  	[smem:$0x3FB0] =	sst s2  }
0xb: {  	[smem:$0x3FB1] =	sst s3  }
0xc: {  	[smem:$0x3FB2] =	sst s4  }
0xd: {  	[smem:$0x3FB3] =	sst s5  }
0xe: {  	[smem:$0x3FB4] =	sst s6  }
0xf: {  	[smem:$0x3FB5] =	sst s7  }
0x10: {  	[smem:$0x3FB6] =	sst s8  }
0x11: {  	[smem:$0x3FB7] =	sst s9;
	s0 =	simm.s32 @!p0 $0x0  }
0x12: {  	s1 =	sld [smem:$0x3F9D];
	s0 =	simm.s32 @p0 $0x1  }
0x13: {  	[smem:$0x3FB8] =	sst s0;
	s0 =	simm.s32 @!p1 $0x0  }
0x14: {  	s2 =	sld [smem:$0x3F9C];
	s0 =	simm.s32 @p1 $0x1  }
0x15: {  	[smem:$0x3FB9] =	sst s0;
	s0 =	simm.s32 @!p2 $0x0  }
0x16: {  	s3 =	sld [smem:$0x3FDB];
	s0 =	simm.s32 @p2 $0x1  }
0x17: {  	s4 =	simm.s32 $0x1BF5;
	[smem:$0x3FBB] =	sst s0  }
0x18: {  	s0 =	sld [smem:$0x3F9E];
	_ =	swait.ge [sflag:s4], $0x0  }
0x19: {  	s7 =	sld [smem:$0x3F9F]  }
0x1a: {  	s8 =	sadd.s32 $0xFFFFE003, lr  }
0x1b: {  	s9 =	sadd.s32 $0xFFFFFEF7, lr;
	s5 =	simm.s32 $0xFFFFFFFF;
	p2 =	slt.u32 s8, $0xFFFFF086  }
0x1c: {  	p1 =	slt.u32 s9, $0xF7A;
	s5 =	simm.s32 @!p2 $0x0  }
0x1d: {  	s5 =	simm.s32 @p1 $0x1;
	p0 =	seq.s32 s7, s2  }
0x1e: {  	s7 =	smul.u32 @!p0 $0xF7A, s2;
	p2 =	seq.s32 @!p0 s5, $0x0  }
0x1f: {  	s9 =	smul.u32 $0xF7A, s1;
	s8 =	simm.s32 @!p0 $0x1BF5;
	p2 =	por !p2, p0  }
0x20: {  	[sflag:s8] =	ssyncset.s32 @!p0 $0xFFFFF086;
	s6 =	sadd.s32 @!p0 s3, s7;
	s7 =	simm.s32 @!p0 $0x108  }
0x21: {  	s3 =	sadd.s32 s3, s9;
	s6 =	sadd.s32 @!p0 $0x88, s6;
	s7 =	simm.s32 @p2 $0x1082  }
0x22: {  	[simem:s7], [sflag:s8] =	dma.local @!p0 [hbm:s6], $0xF7A  }
0x23: {  	s9 =	sor.u32 $0xD0000000, s2;
	s6 =	simm.s32 $0x108;
	_ =	swait.ge @!p0 [sflag:s8], $0x0  }
0x24: {  	s3 =	sadd.s32 $0x88, s3;
	s6 =	simm.s32 @!p1 $0x1082;
	[sflag:s4] =	ssyncset.s32 $0xFFFFF086  }
0x25: {  	[simem:s6], [sflag:s4] =	dma.local [hbm:s3], $0xF7A  }
0x26: {  	[smem:$0x3F9F] =	sst s1;
	(tag) =	ssettag s2;
	_ =	strace s9  }
0x27: {  	s1 =	sld [smem:$0x3FAF]  }
0x28: {  	s2 =	sld [smem:$0x3FB0]  }
0x29: {  	s4 =	sld [smem:$0x3FB2]  }
0x2a: {  	p0 =	seq.s32 s5, $0x0;
	s5 =	sld [smem:$0x3FB3]  }
0x2b: {  	s6 =	sld [smem:$0x3FB4]  }
0x2c: {  	s7 =	sld [smem:$0x3FB5]  }
0x2d: {  	s3 =	simm.s32 $0x108;
	s8 =	sld [smem:$0x3FB6]  }
0x2e: {  	s3 =	simm.s32 @!p0 $0x1082;
	s9 =	sld [smem:$0x3FB7]  }
0x2f: {  	lr =	sadd.s32 s0, s3;
	s0 =	sld [smem:$0x3FAE]  }
0x30: {  	s3 =	sld [smem:$0x3FB1]  }
0x31: {  	[smem:$0x3FBA] =	sst s10  }
0x32: {  	s10 =	sld [smem:$0x3FB8];
	_ =	sdelay $0x3  }
0x33: {  	p0 =	seq.s32 s10, $0x1;
	s10 =	sld [smem:$0x3FBA];
	_ =	sdelay $0x3  }
0x34: {  	[smem:$0x3FBA] =	sst s10  }
0x35: {  	s10 =	sld [smem:$0x3FB9];
	_ =	sdelay $0x3  }
0x36: {  	p1 =	seq.s32 s10, $0x1;
	s10 =	sld [smem:$0x3FBA];
	_ =	sdelay $0x3  }
0x37: {  	[smem:$0x3FBA] =	sst s10  }
0x38: {  	s10 =	sld [smem:$0x3FBB]  }
0x39: {  	_ = 	snop;
	(pc) =	sbr.ind lr, $3  }
0x3a: {  	_ = 	snop  }
0x3b: {  	_ = 	snop  }
0x3c: {  	p2 =	seq.s32 s10, $0x1;
	s10 =	sld [smem:$0x3FBA]  }
0x3d: {  	_ =	shalt  }
0x3e: {  	_ =	shalt  }
0x3f: {  	_ =	shalt  }
0x40: {  	_ =	shalt  }
0x41: {  	_ =	shalt  }
0x42: {  	_ =	shalt  }
0x43: {  	_ =	shalt  }
0x44: {  	_ =	shalt  }
0x45: {  	_ =	shalt  }
0x46: {  	_ =	shalt  }
0x47: {  	_ =	shalt  }
0x48: {  	_ =	shalt  }
0x49: {  	_ =	shalt  }
0x4a: {  	_ =	shalt  }
0x4b: {  	_ =	shalt  }
0x4c: {  	_ =	shalt  }
0x4d: {  	_ =	shalt  }
0x4e: {  	_ =	shalt  }
0x4f: {  	_ =	shalt  }
0x50: {  	_ =	shalt  }
0x51: {  	_ =	shalt  }
0x52: {  	_ =	shalt  }
0x53: {  	_ =	shalt  }
0x54: {  	_ =	shalt  }
0x55: {  	_ =	shalt  }
0x56: {  	_ =	shalt  }
0x57: {  	_ =	shalt  }
0x58: {  	_ =	shalt  }
0x59: {  	_ =	shalt  }
0x5a: {  	_ =	shalt  }
0x5b: {  	_ =	shalt  }
0x5c: {  	_ =	shalt  }
0x5d: {  	_ =	shalt  }
0x5e: {  	_ =	shalt  }
0x5f: {  	_ =	shalt  }
0x60: {  	_ =	shalt  }
0x61: {  	_ =	shalt  }
0x62: {  	_ =	shalt  }
0x63: {  	_ =	shalt  }
0x64: {  	_ =	shalt  }
0x65: {  	_ =	shalt  }
0x66: {  	_ =	shalt  }
0x67: {  	_ =	shalt  }
0x68: {  	_ =	shalt  }
0x69: {  	_ =	shalt  }
0x6a: {  	_ =	shalt  }
0x6b: {  	_ =	shalt  }
0x6c: {  	_ =	shalt  }
0x6d: {  	_ =	shalt  }
0x6e: {  	_ =	shalt  }
0x6f: {  	_ =	shalt  }
0x70: {  	_ =	shalt  }
0x71: {  	_ =	shalt  }
0x72: {  	_ =	shalt  }
0x73: {  	_ =	shalt  }
0x74: {  	_ =	shalt  }
0x75: {  	_ =	shalt  }
0x76: {  	_ =	shalt  }
0x77: {  	_ =	shalt  }
0x78: {  	_ =	shalt  }
0x79: {  	_ =	shalt  }
0x7a: {  	_ =	shalt  }
0x7b: {  	_ =	shalt  }
0x7c: {  	_ =	shalt  }
0x7d: {  	_ =	shalt  }
0x7e: {  	_ =	shalt  }
0x7f: {  	_ =	shalt  }
0x80: {  	_ =	shalt  }
0x81: {  	_ =	shalt  }
0x82: {  	_ =	shalt  }
0x83: {  	_ =	shalt  }
0x84: {  	_ =	shalt  }
0x85: {  	_ =	shalt  }
0x86: {  	_ =	shalt  }
0x87: {  	_ =	shalt  }
.Lfunc_end0:
.L_simem_size_0:
called_computation_lowered:
.L_overlay_start_0:
0x88: {  	s2 =	sld [smem:$0x3FD9]  }
0x89: {  	s3 =	sld [smem:$0x3FFE];
	_ =	sdelay $0x1  }
0x8a: {  	s1 =	srdreg.scid  }
0x8b: {  	s0 =	sand.u32 $0x1, s1  }
0x8c: {  	s18 =	sshll.u32 s0, $0xA;
	s2 =	sadd.s32 s3, s2  }
0x8d: {  	s2 =	sadd.s32 s2, s18  }
0x8e: {  	[smem:$0x3FC6] =	sst s2  }
0x8f: {  	_ = 	snop  }
0x90: {  	s2 =	sld [smem:$0x3FC9]  }
0x91: {  	s19 =	sld [smem:$0x3FC8]  }
0x92: {  	s4 =	sld [smem:$0x3FD0];
	(tm) =	ssettm $0x1  }
0x93: {  	s5 =	sld [smem:$0x3FFB];
	_ =	sdelay $0x3  }
0x94: {  	_ =	strace s5  }
0x95: {  	s5 =	sld [smem:$0x3FFC];
	_ =	sdelay $0x3  }
0x96: {  	_ =	strace s5  }
0x97: {  	s5 =	sld [smem:$0x3FFD];
	_ =	sdelay $0x3  }
0x98: {  	_ =	strace s5  }
0x99: {  	_ =	strace $0x8FFFFFFF  }
0x9a: {  	s20 =	sld [smem:$0x3FDB];
	_ =	sdelay $0x1  }
0x9b: {  	s6 =	simm.s32 $_scs_section_size  }
0x9c: {  	s7 =	simm.s32 $_size__tile_overlayer_lowered;
	s8 =	simm.s32 $_tile_overlayer_lowered  }
0x9d: {  	s23 =	simm.s32 $0x1BFF;
	s22 =	sshll.u32 s8, $0x1;
	s5 =	sadd.s32 s6, s20  }
0x9e: {  	s9 =	simm.s32 $0x0;
	s21 =	sshll.u32 s7, $0x1;
	s7 =	sadd.s32 s22, s5  }
0x9f: {  	[timem:s9], [sflag:s23] =	dma.local [hbm:s7], s21  }
0xa0: {  	_ =	swait.ge [sflag:s23], s21  }
0xa1: {  	s6 =	ssub.s32 $0x0, s21;
	[sflag:s23] =	ssyncset.done $0x0  }
0xa2: {  	[sflag:s23] =	ssyncadd.s32 s6;
	_ =	sdelay $0x1  }
0xa3: {  	s24 =	simm.s32 $0x1B8B  }
0xa4: {  	_ =	swait.ge [sflag:s24], $0x1  }
0xa5: {  	[sflag:s24] =	ssyncset.done $0x0  }
0xa6: {  	s25 =	simm.s32 $0x1B8E;
	[sflag:s24] =	ssyncadd.s32 $0xFFFFFFFF  }
0xa7: {  	s26 =	simm.s32 $execute0_lowered;
	[smem:$0x3FD2] =	sst s25  }
0xa8: {  	s6 =	sshll.u32 s26, $0x1;
	_ =	strace $0x80000046;
	[dreg:$0x1] =	wrdreg $0xFFFFFFFF  }
0xa9: {  	s28 =	simm.s32 $_size_execute0_lowered;
	s5 =	sadd.s32 s5, s6;
	[dreg:$0x0] =	wrdreg $0x0  }
0xaa: {  	s6 =	sshll.u32 s28, $0x1;
	[dreg:$0x2] =	wrdreg s5  }
0xab: {  	[dreg:$0x3] =	wrdreg s6  }
0xac: {  	[dreg:$0x4] =	wrdreg $0xC0  }
0xad: {  	_ =	task [dreg:s9], $0x5FFFF  }
0xae: {  	[dreg:$0x1] =	wrdreg $0xFFFFFFFF  }
0xaf: {  	[dreg:$0x0] =	wrdreg $0x60  }
0xb0: {  	[dreg:$0x2] =	wrdreg s2  }
0xb1: {  	[dreg:$0x3] =	wrdreg s19  }
0xb2: {  	[dreg:$0x4] =	wrdreg s4  }
0xb3: {  	[dreg:$0x5] =	wrdreg $0x9  }
0xb4: {  	_ =	task.clear_ibuf [dreg:s9], $0x6FFFF;
	_ =	strace $0x90000046  }
0xb5: {  	s29 =	simm.s32 $0x9;
	_ =	strace $0x80000048  }
0xb6: {  	_ =	swait.ge [sflag:s29], $0x1  }
0xb7: {  	[sflag:s29] =	ssyncadd.s32 $0xFFFFFFFF  }
0xb8: {  	_ =	strace $0x90000048  }
0xb9: {  	_ =	sfence  }
0xba: {  	s30 =	sld [smem:$0x0];
	_ =	sdelay $0x2  }
0xbb: {  	s31 =	sshll.u32 s1, $0xD;
	s1 =	sshrl.u32 s1, $0x2  }
0xbc: {  	s3 =	sand.u32 $0x4000, s31;
	s1 =	sadd.s32 s1, s30  }
0xbd: {  	s0 =	sor.u32 s3, s0;
	s1 =	sshll.u32 s1, $0x11  }
0xbe: {  	s0 =	sor.u32 s1, s0  }
0xbf: {  	s0 =	sadd.s32 $0x8F2B, s0  }
0xc0: {  	[sflag:s0] =	ssyncadd.remote.s32 $0x1  }
0xc1: {  	_ =	sfence.sel $0xFFFF  }
0xc2: {  	[dreg:$0x0] =	wrdreg $0xFFFFFFFF;
	(pc) =	sbr.abs _section_cstart, $3  }
0xc3: {  	[dreg:$0x1] =	wrdreg $0xFFFFFFFF  }
0xc4: {  	_ =	task.clear_ibuf [dreg:s9], $0x2FFFF;
	_ =	strace $0x9FFFFFFF  }
0xc5: {  	(tm) =	ssettm $0x7FFFFFFF  }
tec
execute0_lowered:
.L_overlay_start_1:
0x0: {  	(tag) =	ssettag $0x1  }
0x1: {  	s1 =	srdreg.scid;
	s5 =	rddreg [dreg:$0x0]  }
0x2: {  	s0 =	stileid.u32;
	s2 =	rddreg [dreg:$0x1]  }
0x3: {  	s4 =	simm.s32 $0x0;
	s14 =	simm.s32 $0xE400;
	s15 =	simm.s32 $0x1  }
0x4: {  	s16 =	simm.s32 $0x12400;
	s17 =	simm.s32 $0x2;
	s18 =	simm.s32 $0x16400  }
0x5: {  	s19 =	simm.s32 $0x3;
	s20 =	simm.s32 $0x6;
	s21 =	simm.s32 $0x4  }
0x6: {  	s22 =	simm.s32 $0x7;
	s23 =	simm.s32 $0x5;
	s24 =	simm.s32 $0x8  }
0x7: {  	s25 =	simm.s32 $0x9;
	s28 =	simm.s32 $0x0;
	s8 =	smul.u32 $0x190, s0  }
0x8: {  	s6 =	sand.u32 $0x1, s1;
	s26 =	sshll.u32 s0, $0x1;
	s12 =	smul.u32 $0xC8000, s0  }
0x9: {  	[smem:$0x7FF] =	sst s4;
	s1 =	sor.u32 s6, s26;
	s10 =	smul.u32 $0xC8, s6  }
0xa: {  	s9 =	ssub.s32 $0x2, s6;
	_ =	strace $0x80000047;
	s29 =	smul.u32 $0x64000, s6  }
.Ltmp0:
0xb: {  	s26 =	simm.s32 $0xA;
	s11 =	sshrl.u32 s9, $0x1;
	(pc) =	sbr.rel .LBB2_1-.Ltmp0, $4  }
0xc: {  	s7 =	smul.u32 $0xC80, s1;
	s9 =	ssub.s32 s9, s11;
	s31 =	sadd.s32 s10, s8  }
0xd: {  	s8 =	sadd.s32 s29, s12;
	s10 =	simm.s32 $0x80;
	s11 =	simm.s32 $0x6400  }
0xe: {  	s12 =	simm.s32 $0xA400;
	s30 =	sadd.s32 s5, s7;
	s6 =	smax.u32 s9, $0x1  }
0xf: {  	s7 =	sshll.u32 s31, $0xB;
	s9 =	simm.s32 $0xB;
	[dreg:$0x4] =	wrdreg s30  }
.LBB2_4:
0x10: {  	s28 =	sadd.s32 $0x1, s28  }
0x11: {  	_ =	swait.ge [sflag:s25], $0x4000;
	p0 =	sne.s32 s28, s6  }
.Ltmp1:
0x12: {  	[sflag:s25] =	ssyncset.done $0x0;
	(pc) =	sbr.rel @!p0 .LBB2_5-.Ltmp1, $4  }
0x13: {  	[sflag:s25] =	ssyncadd.s32 $0xFFFFC000  }
0x14: {  	_ =	swait.ge [sflag:s26], $0x4000  }
0x15: {  	[sflag:s26] =	ssyncset.done $0x0  }
0x16: {  	[sflag:s26] =	ssyncadd.s32 $0xFFFFC000  }
.LBB2_1:
0x17: {  	s0 =	rddreg [dreg:$0x4]  }
0x18: {  	[tilespmem:s4], [sflag:$0xB] =	stream.linear.gather [hbm4b:s0+s4], $0x6400, $0x38;
	[tilespmem:$0x1A400] =	vst v63  }
0x19: {  	_ =	swait.ge [sflag:s9], $0x6400  }
0x1a: {  	[sflag:s9] =	ssyncset.done $0x0  }
0x1b: {  	[sflag:s9] =	ssyncadd.s32 $0xFFFF9C00  }
0x1c: {  	[tilespmem:s11], [sflag:$0x1] =	stream.indirect.gather [hbm4b:s2+s10], $0x80, s4, s10, $0xb8;
	[tilespmem:$0x1A400] =	vst v63  }
0x1d: {  	_ = 	snop  }
0x1e: {  	[tilespmem:s12], [sflag:$0x2] =	stream.indirect.gather [hbm4b:s2+s10], $0x80, s10, s10, $0xb8;
	[tilespmem:$0x1A400] =	vst v63  }
0x1f: {  	s31 =	simm.s32 $0x100;
	s30 =	simm.s32 $0x0;
	s29 =	rddreg [dreg:$0x2]  }
0x20: {  	[tilespmem:s14], [sflag:$0x3] =	stream.indirect.gather [hbm4b:s2+s10], $0x80, s31, s10, $0xb8;
	[tilespmem:$0x1A400] =	vst v63  }
.LBB2_2:
0x21: {  	_ =	swait.ge [sflag:s15], $0x4000  }
0x22: {  	p0 =	seq.s32 s30, $0x0;
	[sflag:s15] =	ssyncset.done $0x0  }
0x23: {  	s31 =	sadd.s32 s29, s8;
	s1 =	simm.s32 @!p0 $0x9;
	[sflag:s15] =	ssyncadd.s32 $0xFFFFC000  }
0x24: {  	[hbm4b:s31+s4] =	stream.linear.scatter [tilespmem:s11], [sflag:$0x6], $0x4000, $0x38;
	[tilespmem:$0x1A400] =	vst v63  }
0x25: {  	_ =	swait.ge @!p0 [sflag:s1], $0x4000  }
0x26: {  	s31 =	sshra.s32 s30, $0x2;
	[sflag:s1] =	ssyncset.done @!p0 $0x0  }
0x27: {  	s5 =	sadd.s32 $0x180, s31;
	[sflag:s1] =	ssyncadd.s32 @!p0 $0xFFFFC000  }
0x28: {  	[tilespmem:s16], [sflag:$0x4] =	stream.indirect.gather [hbm4b:s2+s10], $0x80, s5, s10, $0xb8;
	[tilespmem:$0x1A400] =	vst v63  }
0x29: {  	_ =	swait.ge [sflag:s17], $0x4000  }
0x2a: {  	s1 =	sadd.s32 s29, s7;
	[sflag:s17] =	ssyncset.done $0x0  }
0x2b: {  	s0 =	sadd.s32 $0x800, s1;
	[sflag:s17] =	ssyncadd.s32 $0xFFFFC000  }
0x2c: {  	[hbm4b:s0+s4] =	stream.linear.scatter [tilespmem:s12], [sflag:$0x7], $0x4000, $0x38;
	[tilespmem:$0x1A400] =	vst v63  }
0x2d: {  	s0 =	simm.s32 @!p0 $0xA  }
0x2e: {  	_ =	swait.ge @!p0 [sflag:s0], $0x4000  }
0x2f: {  	[sflag:s0] =	ssyncset.done @!p0 $0x0  }
0x30: {  	s13 =	sadd.s32 $0x200, s31;
	[sflag:s0] =	ssyncadd.s32 @!p0 $0xFFFFC000  }
0x31: {  	[tilespmem:s18], [sflag:$0x5] =	stream.indirect.gather [hbm4b:s2+s10], $0x80, s13, s10, $0xb8;
	[tilespmem:$0x1A400] =	vst v63  }
0x32: {  	_ =	swait.ge [sflag:s19], $0x4000  }
0x33: {  	[sflag:s19] =	ssyncset.done $0x0  }
0x34: {  	s3 =	sadd.s32 $0x1000, s1;
	[sflag:s19] =	ssyncadd.s32 $0xFFFFC000  }
0x35: {  	[hbm4b:s3+s4] =	stream.linear.scatter [tilespmem:s14], [sflag:$0x8], $0x4000, $0x38;
	[tilespmem:$0x1A400] =	vst v63  }
0x36: {  	p0 =	seq.s32 s30, $0x18600;
	_ =	swait.ge [sflag:s20], $0x4000  }
0x37: {  	s0 =	sshra.s32 @!p0 s30, $0x2;
	s13 =	simm.s32 @!p0 $0x80;
	[sflag:s20] =	ssyncset.done $0x0  }
0x38: {  	s5 =	simm.s32 @!p0 $0x6400;
	s3 =	sadd.s32 @!p0 $0x280, s0;
	[sflag:s20] =	ssyncadd.s32 $0xFFFFC000  }
0x39: {  	[tilespmem:s5], [sflag:$0x1] =	stream.indirect.gather @!p0 [hbm4b:s2+s13], $0x80, s3, s13, $0xb8;
	[tilespmem:$0x1A400] =	vst v63  }
0x3a: {  	_ =	swait.ge [sflag:s21], $0x4000  }
0x3b: {  	[sflag:s21] =	ssyncset.done $0x0  }
0x3c: {  	s5 =	sadd.s32 $0x1800, s1;
	[sflag:s21] =	ssyncadd.s32 $0xFFFFC000  }
0x3d: {  	[hbm4b:s5+s4] =	stream.linear.scatter [tilespmem:s16], [sflag:$0x9], $0x4000, $0x38;
	[tilespmem:$0x1A400] =	vst v63  }
0x3e: {  	_ =	swait.ge [sflag:s22], $0x4000  }
0x3f: {  	[sflag:s22] =	ssyncset.done $0x0  }
0x40: {  	s0 =	sadd.s32 @!p0 $0x300, s0;
	s3 =	simm.s32 @!p0 $0xA400;
	[sflag:s22] =	ssyncadd.s32 $0xFFFFC000  }
0x41: {  	[tilespmem:s3], [sflag:$0x2] =	stream.indirect.gather @!p0 [hbm4b:s2+s13], $0x80, s0, s13, $0xb8;
	[tilespmem:$0x1A400] =	vst v63  }
0x42: {  	_ =	swait.ge [sflag:s23], $0x4000  }
0x43: {  	[sflag:s23] =	ssyncset.done $0x0  }
.Ltmp2:
0x44: {  	s13 =	sadd.s32 $0x2000, s1;
	[sflag:s23] =	ssyncadd.s32 $0xFFFFC000;
	(pc) =	sbr.rel @p0 .LBB2_4-.Ltmp2, $4  }
0x45: {  	[hbm4b:s13+s4] =	stream.linear.scatter [tilespmem:s18], [sflag:$0xA], $0x4000, $0x38;
	[tilespmem:$0x1A400] =	vst v63  }
0x46: {  	_ =	swait.ge [sflag:s24], $0x4000  }
0x47: {  	[sflag:s24] =	ssyncset.done $0x0  }
0x48: {  	[sflag:s24] =	ssyncadd.s32 $0xFFFFC000  }
.Ltmp3:
0x49: {  	(pc) =	sbr.rel .LBB2_2-.Ltmp3, $3  }
0x4a: {  	_ =	sdelay $0x1  }
0x4b: {  	s0 =	sadd.s32 $0x380, s31;
	s30 =	sadd.s32 $0xA00, s30;
	s29 =	sadd.s32 $0x2800, s29  }
0x4c: {  	[tilespmem:s14], [sflag:$0x3] =	stream.indirect.gather [hbm4b:s2+s10], $0x80, s0, s10, $0xb8;
	[tilespmem:$0x1A400] =	vst v63  }
.LBB2_5:
0x4d: {  	_ =	sfence.sel $0x180000  }
0x4e: {  	[bflag:$0x0] =	sbarrier.arrive $0xFFFF  }
0x4f: {  	_ =	strace $0x90000047  }
0x50: {  	s0 =	stileid.u32;
	[bflag:$0x2] =	sbarrier.arrive $0xFFFF  }
0x51: {  	p0 =	sne.s32 s0, $0x0;
	s0 =	rddreg [dreg:$0x3]  }
0x52: {  	s0 =	sadd.s32 @!p0 $0x100000, s0  }
0x53: {  	[sflag:s0] =	ssyncadd.tile.s32 @!p0 $0x1;
	_ =	shalt  }
.Lfunc_end2:
_tile_overlayer_lowered:
.L_overlay_start_2:
0x54: {  	(tag) =	ssettag $0x2  }
0x55: {  	s0 =	rddreg [dreg:$0x0];
	s2 =	stileid.u32  }
0x56: {  	s1 =	rddreg [dreg:$0x1];
	p0 =	sne.s32 s2, $0x0  }
0x57: {  	s3 =	rddreg [dreg:$0x2];
	[bflag:$0x3] =	sbarrier.arrive $0xFFFF;
	s2 =	simm.s32 @!p0 $0x1C0B  }
0x58: {  	[timem:s3], [sflag:s2] =	dma.local @!p0 [hbm:s0], s1  }
0x59: {  	s0 =	simm.s32 @!p0 $0xB  }
0x5a: {  	_ =	swait.ge @!p0 [sflag:s0], s1  }
0x5b: {  	s1 =	ssub.s32 @!p0 $0x0, s1;
	[sflag:s0] =	ssyncset.done @!p0 $0x0  }
0x5c: {  	[sflag:s0] =	ssyncadd.s32 @!p0 s1  }
0x5d: {  	[bflag:$0x3] =	sbarrier.arrive $0xFFFF  }
0x5e: {  	_ =	shalt  }

</sc_bundles>
